<compile_context>
chip_gen: v7x
topology: tpu7x:2x2x1
jax: 0.10.2.dev20260603
libtpu: 0.0.44.dev20260713+nightly
codegen_flags: <defaults>
</compile_context>

<pallas_src>
import functools

import jax
import jax.numpy as jnp
from jax import lax
from jax.experimental import pallas as pl
from jax.experimental.pallas import tpu as pltpu
from jax.experimental.pallas import tpu_sc as plsc

_T = 64
_W = 3 * 224 * 224
_NC = 2
_NS = 16
_NW = _NC * _NS
_RPW = _T // _NW
_NCH = 8
_CH = _W // _NCH
_TOTAL = _RPW * _NCH
_NBUF = 6


def _sc_body_hbm2hbm(vid, out, sem):
    wid = lax.axis_index("s") * _NC + lax.axis_index("c")
    orows = 2 * _T // _NW
    base = wid * orows
    hs = []
    for i in range(orows):
        orow = base + i
        irow = orow // 2
        hs.append(pltpu.async_copy(vid.at[pl.ds(irow * _W, _W)],
                                   out.at[pl.ds(orow * _W, _W)], sem))
    for h in hs:
        h.wait()


def _sc_body(vid, out, *refs):
    bufs = refs[:_NBUF]
    gsems = refs[_NBUF:2 * _NBUF]
    wsems = refs[2 * _NBUF:3 * _NBUF]
    wid = lax.axis_index("s") * _NC + lax.axis_index("c")
    base_row = wid * _RPW

    def in_off(q):
        r = base_row + q // _NCH
        return r * _W + (q % _NCH) * _CH

    def out_off(q, dup):
        r = base_row + q // _NCH
        return (2 * r + dup) * _W + (q % _NCH) * _CH

    gh = [None] * _NBUF
    wh = [None] * _NBUF

    def issue_gather(q):
        b = q % _NBUF
        gh[b] = pltpu.async_copy(vid.at[pl.ds(in_off(q), _CH)], bufs[b],
                                 gsems[b])

    for q in range(min(_NBUF, _TOTAL)):
        issue_gather(q)
    for q in range(_TOTAL):
        b = q % _NBUF
        gh[b].wait()
        wh[b] = (
            pltpu.async_copy(bufs[b], out.at[pl.ds(out_off(q, 0), _CH)],
                             wsems[b]),
            pltpu.async_copy(bufs[b], out.at[pl.ds(out_off(q, 1), _CH)],
                             wsems[b]),
        )
        nxt = q + _NBUF
        if nxt < _TOTAL:
            wh[b][0].wait()
            wh[b][1].wait()
            issue_gather(nxt)
    for q in range(max(0, _TOTAL - _NBUF), _TOTAL):
        b = q % _NBUF
        wh[b][0].wait()
        wh[b][1].wait()


_sc_copy = functools.partial(
    pl.kernel,
    out_type=jax.ShapeDtypeStruct((2 * _T * _W,), jnp.float32),
    mesh=plsc.VectorSubcoreMesh(core_axis_name="c", subcore_axis_name="s"),
    scratch_types=[pltpu.SemaphoreType.DMA],
)(_sc_body_hbm2hbm)


def kernel(video):
    vid = video.reshape(_T * _W)
    out = _sc_copy(vid)
    return out.reshape(2 * _T, 3, 224, 224)

# --- scband reference (transcript-rebuilt; emitter-appended) ---
"""Pipeline reference for scband-slow-motion-81355270521271 (READ-ONLY COPY).

The authoritative reference and input builder live on the scoring server;
editing this copy changes nothing except your own understanding.
"""

import jax, jax.numpy as jnp
import numpy as np

SM_RANGE = 2  # deterministic int (not a tuple) so no RNG in forward


def setup_inputs(seed: int = 0) -> dict:
    key = jax.random.key(seed)
    video = jax.random.normal(key, (64, 3, 224, 224), dtype=jnp.float32)
    return {"video": video}


def reference(video):
    # SlowMotion.forward: slow = sm_range (int branch);
    # idx = np.repeat(np.arange(len(video)), slow); return video[idx]
    slow = SM_RANGE
    idx = jnp.repeat(jnp.arange(video.shape[0]), slow)
    return jnp.take(video, idx, axis=0)

if __name__ == "__main__":
    import jax
    _d = setup_inputs()
    print(jax.jit(kernel)(*tuple(_d.values())))

</pallas_src>

<mosaic_0001>
#map = affine_map<(d0, d1) -> (0)>
module attributes {stable_mosaic.version = 14 : i64} {
  func.func @_sc_body_hbm2hbm(%arg0: i32, %arg1: i32, %arg2: memref<9633792xf32, #tpu.memory_space<hbm>>, %arg3: memref<19267584xf32, #tpu.memory_space<hbm>>, %arg4: memref<!tpu.dma_semaphore, #tpu.memory_space<semaphore_mem>>) attributes {dimension_semantics = [#tpu.dimension_semantics<core_parallel>, #tpu.dimension_semantics<subcore_parallel>], iteration_bounds = array<i64: 2, 16>, scalar_prefetch = 0 : i64, scratch_operands = 1 : i64, tpu.core_type = #tpu.core_type<sc_vector_subcore>, window_params = [{transform_indices = #map}, {transform_indices = #map}]} {
    %mul3A = arith.constant 2 : i32
    %mul3A_0 = arith.muli %arg1, %mul3A : i32
    %add3A = arith.addi %mul3A_0, %arg0 : i32
    %mul3A_1 = arith.constant 4 : i32
    %mul3A_2 = arith.muli %add3A, %mul3A_1 : i32
    %add3A_3 = arith.constant 0 : i32
    %add3A_4 = arith.addi %mul3A_2, %add3A_3 : i32
    %jit3A = arith.constant 2 : i32
    %div3A = arith.divsi %add3A_4, %jit3A : i32
    %sign3A = arith.constant 0 : i32
    %sign3A_5 = arith.cmpi sgt, %add3A_4, %sign3A : i32
    %sign3A_6 = arith.extui %sign3A_5 : i1 to i32
    %sign3A_7 = arith.constant 0 : i32
    %sign3A_8 = arith.cmpi slt, %add3A_4, %sign3A_7 : i32
    %sign3A_9 = arith.extui %sign3A_8 : i1 to i32
    %sign3A_10 = arith.subi %sign3A_6, %sign3A_9 : i32
    %sign3A_11 = arith.constant 0 : i32
    %sign3A_12 = arith.cmpi sgt, %jit3A, %sign3A_11 : i32
    %sign3A_13 = arith.extui %sign3A_12 : i1 to i32
    %sign3A_14 = arith.constant 0 : i32
    %sign3A_15 = arith.cmpi slt, %jit3A, %sign3A_14 : i32
    %sign3A_16 = arith.extui %sign3A_15 : i1 to i32
    %sign3A_17 = arith.subi %sign3A_13, %sign3A_16 : i32
    %ne3A = arith.cmpi ne, %sign3A_10, %sign3A_17 : i32
    %rem3A = arith.remsi %add3A_4, %jit3A : i32
    %ne3A_18 = arith.constant 0 : i32
    %ne3A_19 = arith.cmpi ne, %rem3A, %ne3A_18 : i32
    %and3A = arith.andi %ne3A, %ne3A_19 : i1
    %sub3A = arith.constant 1 : i32
    %sub3A_20 = arith.subi %div3A, %sub3A : i32
    %select_n3A = arith.select %and3A, %sub3A_20, %div3A : i32
    %mul3A_21 = arith.constant 150528 : i32
    %mul3A_22 = arith.muli %select_n3A, %mul3A_21 : i32
    %mul3A_23 = arith.constant 150528 : i32
    %mul3A_24 = arith.muli %add3A_4, %mul3A_23 : i32
    %dma_start3A = tpu.memref_slice %arg3[%mul3A_24] : memref<19267584xf32, #tpu.memory_space<hbm>> -> memref<150528xf32, #tpu.memory_space<hbm>>
    %dma_start3A_25 = tpu.memref_slice %arg2[%mul3A_22] : memref<9633792xf32, #tpu.memory_space<hbm>> -> memref<150528xf32, #tpu.memory_space<hbm>>
    tpu.enqueue_dma source(%dma_start3A_25 : memref<150528xf32, #tpu.memory_space<hbm>>) target(%dma_start3A : memref<150528xf32, #tpu.memory_space<hbm>>) target_semaphore(%arg4 : memref<!tpu.dma_semaphore, #tpu.memory_space<semaphore_mem>>)
    %add3A_26 = arith.constant 1 : i32
    %add3A_27 = arith.addi %mul3A_2, %add3A_26 : i32
    %jit3A_28 = arith.constant 2 : i32
    %div3A_29 = arith.divsi %add3A_27, %jit3A_28 : i32
    %sign3A_30 = arith.constant 0 : i32
    %sign3A_31 = arith.cmpi sgt, %add3A_27, %sign3A_30 : i32
    %sign3A_32 = arith.extui %sign3A_31 : i1 to i32
    %sign3A_33 = arith.constant 0 : i32
    %sign3A_34 = arith.cmpi slt, %add3A_27, %sign3A_33 : i32
    %sign3A_35 = arith.extui %sign3A_34 : i1 to i32
    %sign3A_36 = arith.subi %sign3A_32, %sign3A_35 : i32
    %sign3A_37 = arith.constant 0 : i32
    %sign3A_38 = arith.cmpi sgt, %jit3A_28, %sign3A_37 : i32
    %sign3A_39 = arith.extui %sign3A_38 : i1 to i32
    %sign3A_40 = arith.constant 0 : i32
    %sign3A_41 = arith.cmpi slt, %jit3A_28, %sign3A_40 : i32
    %sign3A_42 = arith.extui %sign3A_41 : i1 to i32
    %sign3A_43 = arith.subi %sign3A_39, %sign3A_42 : i32
    %ne3A_44 = arith.cmpi ne, %sign3A_36, %sign3A_43 : i32
    %rem3A_45 = arith.remsi %add3A_27, %jit3A_28 : i32
    %ne3A_46 = arith.constant 0 : i32
    %ne3A_47 = arith.cmpi ne, %rem3A_45, %ne3A_46 : i32
    %and3A_48 = arith.andi %ne3A_44, %ne3A_47 : i1
    %sub3A_49 = arith.constant 1 : i32
    %sub3A_50 = arith.subi %div3A_29, %sub3A_49 : i32
    %select_n3A_51 = arith.select %and3A_48, %sub3A_50, %div3A_29 : i32
    %mul3A_52 = arith.constant 150528 : i32
    %mul3A_53 = arith.muli %select_n3A_51, %mul3A_52 : i32
    %mul3A_54 = arith.constant 150528 : i32
    %mul3A_55 = arith.muli %add3A_27, %mul3A_54 : i32
    %dma_start3A_56 = tpu.memref_slice %arg3[%mul3A_55] : memref<19267584xf32, #tpu.memory_space<hbm>> -> memref<150528xf32, #tpu.memory_space<hbm>>
    %dma_start3A_57 = tpu.memref_slice %arg2[%mul3A_53] : memref<9633792xf32, #tpu.memory_space<hbm>> -> memref<150528xf32, #tpu.memory_space<hbm>>
    tpu.enqueue_dma source(%dma_start3A_57 : memref<150528xf32, #tpu.memory_space<hbm>>) target(%dma_start3A_56 : memref<150528xf32, #tpu.memory_space<hbm>>) target_semaphore(%arg4 : memref<!tpu.dma_semaphore, #tpu.memory_space<semaphore_mem>>)
    %add3A_58 = arith.constant 2 : i32
    %add3A_59 = arith.addi %mul3A_2, %add3A_58 : i32
    %jit3A_60 = arith.constant 2 : i32
    %div3A_61 = arith.divsi %add3A_59, %jit3A_60 : i32
    %sign3A_62 = arith.constant 0 : i32
    %sign3A_63 = arith.cmpi sgt, %add3A_59, %sign3A_62 : i32
    %sign3A_64 = arith.extui %sign3A_63 : i1 to i32
    %sign3A_65 = arith.constant 0 : i32
    %sign3A_66 = arith.cmpi slt, %add3A_59, %sign3A_65 : i32
    %sign3A_67 = arith.extui %sign3A_66 : i1 to i32
    %sign3A_68 = arith.subi %sign3A_64, %sign3A_67 : i32
    %sign3A_69 = arith.constant 0 : i32
    %sign3A_70 = arith.cmpi sgt, %jit3A_60, %sign3A_69 : i32
    %sign3A_71 = arith.extui %sign3A_70 : i1 to i32
    %sign3A_72 = arith.constant 0 : i32
    %sign3A_73 = arith.cmpi slt, %jit3A_60, %sign3A_72 : i32
    %sign3A_74 = arith.extui %sign3A_73 : i1 to i32
    %sign3A_75 = arith.subi %sign3A_71, %sign3A_74 : i32
    %ne3A_76 = arith.cmpi ne, %sign3A_68, %sign3A_75 : i32
    %rem3A_77 = arith.remsi %add3A_59, %jit3A_60 : i32
    %ne3A_78 = arith.constant 0 : i32
    %ne3A_79 = arith.cmpi ne, %rem3A_77, %ne3A_78 : i32
    %and3A_80 = arith.andi %ne3A_76, %ne3A_79 : i1
    %sub3A_81 = arith.constant 1 : i32
    %sub3A_82 = arith.subi %div3A_61, %sub3A_81 : i32
    %select_n3A_83 = arith.select %and3A_80, %sub3A_82, %div3A_61 : i32
    %mul3A_84 = arith.constant 150528 : i32
    %mul3A_85 = arith.muli %select_n3A_83, %mul3A_84 : i32
    %mul3A_86 = arith.constant 150528 : i32
    %mul3A_87 = arith.muli %add3A_59, %mul3A_86 : i32
    %dma_start3A_88 = tpu.memref_slice %arg3[%mul3A_87] : memref<19267584xf32, #tpu.memory_space<hbm>> -> memref<150528xf32, #tpu.memory_space<hbm>>
    %dma_start3A_89 = tpu.memref_slice %arg2[%mul3A_85] : memref<9633792xf32, #tpu.memory_space<hbm>> -> memref<150528xf32, #tpu.memory_space<hbm>>
    tpu.enqueue_dma source(%dma_start3A_89 : memref<150528xf32, #tpu.memory_space<hbm>>) target(%dma_start3A_88 : memref<150528xf32, #tpu.memory_space<hbm>>) target_semaphore(%arg4 : memref<!tpu.dma_semaphore, #tpu.memory_space<semaphore_mem>>)
    %add3A_90 = arith.constant 3 : i32
    %add3A_91 = arith.addi %mul3A_2, %add3A_90 : i32
    %jit3A_92 = arith.constant 2 : i32
    %div3A_93 = arith.divsi %add3A_91, %jit3A_92 : i32
    %sign3A_94 = arith.constant 0 : i32
    %sign3A_95 = arith.cmpi sgt, %add3A_91, %sign3A_94 : i32
    %sign3A_96 = arith.extui %sign3A_95 : i1 to i32
    %sign3A_97 = arith.constant 0 : i32
    %sign3A_98 = arith.cmpi slt, %add3A_91, %sign3A_97 : i32
    %sign3A_99 = arith.extui %sign3A_98 : i1 to i32
    %sign3A_100 = arith.subi %sign3A_96, %sign3A_99 : i32
    %sign3A_101 = arith.constant 0 : i32
    %sign3A_102 = arith.cmpi sgt, %jit3A_92, %sign3A_101 : i32
    %sign3A_103 = arith.extui %sign3A_102 : i1 to i32
    %sign3A_104 = arith.constant 0 : i32
    %sign3A_105 = arith.cmpi slt, %jit3A_92, %sign3A_104 : i32
    %sign3A_106 = arith.extui %sign3A_105 : i1 to i32
    %sign3A_107 = arith.subi %sign3A_103, %sign3A_106 : i32
    %ne3A_108 = arith.cmpi ne, %sign3A_100, %sign3A_107 : i32
    %rem3A_109 = arith.remsi %add3A_91, %jit3A_92 : i32
    %ne3A_110 = arith.constant 0 : i32
    %ne3A_111 = arith.cmpi ne, %rem3A_109, %ne3A_110 : i32
    %and3A_112 = arith.andi %ne3A_108, %ne3A_111 : i1
    %sub3A_113 = arith.constant 1 : i32
    %sub3A_114 = arith.subi %div3A_93, %sub3A_113 : i32
    %select_n3A_115 = arith.select %and3A_112, %sub3A_114, %div3A_93 : i32
    %mul3A_116 = arith.constant 150528 : i32
    %mul3A_117 = arith.muli %select_n3A_115, %mul3A_116 : i32
    %mul3A_118 = arith.constant 150528 : i32
    %mul3A_119 = arith.muli %add3A_91, %mul3A_118 : i32
    %dma_start3A_120 = tpu.memref_slice %arg3[%mul3A_119] : memref<19267584xf32, #tpu.memory_space<hbm>> -> memref<150528xf32, #tpu.memory_space<hbm>>
    %dma_start3A_121 = tpu.memref_slice %arg2[%mul3A_117] : memref<9633792xf32, #tpu.memory_space<hbm>> -> memref<150528xf32, #tpu.memory_space<hbm>>
    tpu.enqueue_dma source(%dma_start3A_121 : memref<150528xf32, #tpu.memory_space<hbm>>) target(%dma_start3A_120 : memref<150528xf32, #tpu.memory_space<hbm>>) target_semaphore(%arg4 : memref<!tpu.dma_semaphore, #tpu.memory_space<semaphore_mem>>)
    %dma_wait3A = tpu.memref_slice %arg3[%mul3A_24] : memref<19267584xf32, #tpu.memory_space<hbm>> -> memref<150528xf32, #tpu.memory_space<hbm>>
    %dma_wait3A_122 = tpu.memref_slice %arg2[%mul3A_22] : memref<9633792xf32, #tpu.memory_space<hbm>> -> memref<150528xf32, #tpu.memory_space<hbm>>
    tpu.wait_dma2 semaphore(%arg4 : memref<!tpu.dma_semaphore, #tpu.memory_space<semaphore_mem>>) src(%dma_wait3A_122 : memref<150528xf32, #tpu.memory_space<hbm>>) dst(%dma_wait3A : memref<150528xf32, #tpu.memory_space<hbm>>)
    %dma_wait3A_123 = tpu.memref_slice %arg3[%mul3A_55] : memref<19267584xf32, #tpu.memory_space<hbm>> -> memref<150528xf32, #tpu.memory_space<hbm>>
    %dma_wait3A_124 = tpu.memref_slice %arg2[%mul3A_53] : memref<9633792xf32, #tpu.memory_space<hbm>> -> memref<150528xf32, #tpu.memory_space<hbm>>
    tpu.wait_dma2 semaphore(%arg4 : memref<!tpu.dma_semaphore, #tpu.memory_space<semaphore_mem>>) src(%dma_wait3A_124 : memref<150528xf32, #tpu.memory_space<hbm>>) dst(%dma_wait3A_123 : memref<150528xf32, #tpu.memory_space<hbm>>)
    %dma_wait3A_125 = tpu.memref_slice %arg3[%mul3A_87] : memref<19267584xf32, #tpu.memory_space<hbm>> -> memref<150528xf32, #tpu.memory_space<hbm>>
    %dma_wait3A_126 = tpu.memref_slice %arg2[%mul3A_85] : memref<9633792xf32, #tpu.memory_space<hbm>> -> memref<150528xf32, #tpu.memory_space<hbm>>
    tpu.wait_dma2 semaphore(%arg4 : memref<!tpu.dma_semaphore, #tpu.memory_space<semaphore_mem>>) src(%dma_wait3A_126 : memref<150528xf32, #tpu.memory_space<hbm>>) dst(%dma_wait3A_125 : memref<150528xf32, #tpu.memory_space<hbm>>)
    %dma_wait3A_127 = tpu.memref_slice %arg3[%mul3A_119] : memref<19267584xf32, #tpu.memory_space<hbm>> -> memref<150528xf32, #tpu.memory_space<hbm>>
    %dma_wait3A_128 = tpu.memref_slice %arg2[%mul3A_117] : memref<9633792xf32, #tpu.memory_space<hbm>> -> memref<150528xf32, #tpu.memory_space<hbm>>
    tpu.wait_dma2 semaphore(%arg4 : memref<!tpu.dma_semaphore, #tpu.memory_space<semaphore_mem>>) src(%dma_wait3A_128 : memref<150528xf32, #tpu.memory_space<hbm>>) dst(%dma_wait3A_127 : memref<150528xf32, #tpu.memory_space<hbm>>)
    return
  }
}

</mosaic_0001>

<sc_bundles>
// kernel: kernel.3.cloned.1.call-start
scs
__scs_entry_jumppad:
0x0: {  	(pc) =	sbr.rel $0x88, $3  }
0x1: {  	(tag) =	ssettag $0x0;
	lr =	simm.s32 $0x1  }
0x2: {  	[smem:$0x3FA0] =	sst lr;
	_ =	strace $0xD0000000  }
0x3: {  	_ = 	snop  }
0x4: {  	_ = 	snop  }
0x5: {  	_ = 	snop  }
0x6: {  	_ = 	snop  }
0x7: {  	_ = 	snop  }
__scs_overlays_trampoline_lowered:
0x8: {  	[smem:$0x3FAF] =	sst s0  }
0x9: {  	[smem:$0x3FB0] =	sst s1  }
0xa: {  	[smem:$0x3FB1] =	sst s2  }
0xb: {  	[smem:$0x3FB2] =	sst s3  }
0xc: {  	[smem:$0x3FB3] =	sst s4  }
0xd: {  	[smem:$0x3FB4] =	sst s5  }
0xe: {  	[smem:$0x3FB5] =	sst s6  }
0xf: {  	[smem:$0x3FB6] =	sst s7  }
0x10: {  	[smem:$0x3FB7] =	sst s8  }
0x11: {  	[smem:$0x3FB8] =	sst s9;
	s0 =	simm.s32 @!p0 $0x0  }
0x12: {  	s1 =	sld [smem:$0x3F9E];
	s0 =	simm.s32 @p0 $0x1  }
0x13: {  	[smem:$0x3FB9] =	sst s0;
	s0 =	simm.s32 @!p1 $0x0  }
0x14: {  	s2 =	sld [smem:$0x3F9D];
	s0 =	simm.s32 @p1 $0x1  }
0x15: {  	[smem:$0x3FBA] =	sst s0;
	s0 =	simm.s32 @!p2 $0x0  }
0x16: {  	s3 =	sld [smem:$0x3FDB];
	s0 =	simm.s32 @p2 $0x1  }
0x17: {  	s4 =	simm.s32 $0x1BF5;
	[smem:$0x3FBC] =	sst s0  }
0x18: {  	s0 =	sld [smem:$0x3F9F];
	_ =	swait.ge [sflag:s4], $0x0  }
0x19: {  	s7 =	sld [smem:$0x3FA0]  }
0x1a: {  	s8 =	sadd.s32 $0xFFFFE003, lr  }
0x1b: {  	s9 =	sadd.s32 $0xFFFFFEF7, lr;
	s5 =	simm.s32 $0xFFFFFFFF;
	p2 =	slt.u32 s8, $0xFFFFF086  }
0x1c: {  	p1 =	slt.u32 s9, $0xF7A;
	s5 =	simm.s32 @!p2 $0x0  }
0x1d: {  	s5 =	simm.s32 @p1 $0x1;
	p0 =	seq.s32 s7, s2  }
0x1e: {  	s7 =	smul.u32 @!p0 $0xF7A, s2;
	p2 =	seq.s32 @!p0 s5, $0x0  }
0x1f: {  	s9 =	smul.u32 $0xF7A, s1;
	s8 =	simm.s32 @!p0 $0x1BF5;
	p2 =	por !p2, p0  }
0x20: {  	[sflag:s8] =	ssyncset.s32 @!p0 $0xFFFFF086;
	s6 =	sadd.s32 @!p0 s3, s7;
	s7 =	simm.s32 @!p0 $0x108  }
0x21: {  	s3 =	sadd.s32 s3, s9;
	s6 =	sadd.s32 @!p0 $0x88, s6;
	s7 =	simm.s32 @p2 $0x1082  }
0x22: {  	[simem:s7], [sflag:s8] =	dma.local @!p0 [hbm:s6], $0xF7A  }
0x23: {  	s9 =	sor.u32 $0xD0000000, s2;
	s6 =	simm.s32 $0x108;
	_ =	swait.ge @!p0 [sflag:s8], $0x0  }
0x24: {  	s3 =	sadd.s32 $0x88, s3;
	s6 =	simm.s32 @!p1 $0x1082;
	[sflag:s4] =	ssyncset.s32 $0xFFFFF086  }
0x25: {  	[simem:s6], [sflag:s4] =	dma.local [hbm:s3], $0xF7A  }
0x26: {  	[smem:$0x3FA0] =	sst s1;
	(tag) =	ssettag s2;
	_ =	strace s9  }
0x27: {  	s1 =	sld [smem:$0x3FB0]  }
0x28: {  	s2 =	sld [smem:$0x3FB1]  }
0x29: {  	s4 =	sld [smem:$0x3FB3]  }
0x2a: {  	p0 =	seq.s32 s5, $0x0;
	s5 =	sld [smem:$0x3FB4]  }
0x2b: {  	s6 =	sld [smem:$0x3FB5]  }
0x2c: {  	s7 =	sld [smem:$0x3FB6]  }
0x2d: {  	s3 =	simm.s32 $0x108;
	s8 =	sld [smem:$0x3FB7]  }
0x2e: {  	s3 =	simm.s32 @!p0 $0x1082;
	s9 =	sld [smem:$0x3FB8]  }
0x2f: {  	lr =	sadd.s32 s0, s3;
	s0 =	sld [smem:$0x3FAF]  }
0x30: {  	s3 =	sld [smem:$0x3FB2]  }
0x31: {  	[smem:$0x3FBB] =	sst s10  }
0x32: {  	s10 =	sld [smem:$0x3FB9];
	_ =	sdelay $0x3  }
0x33: {  	p0 =	seq.s32 s10, $0x1;
	s10 =	sld [smem:$0x3FBB];
	_ =	sdelay $0x3  }
0x34: {  	[smem:$0x3FBB] =	sst s10  }
0x35: {  	s10 =	sld [smem:$0x3FBA];
	_ =	sdelay $0x3  }
0x36: {  	p1 =	seq.s32 s10, $0x1;
	s10 =	sld [smem:$0x3FBB];
	_ =	sdelay $0x3  }
0x37: {  	[smem:$0x3FBB] =	sst s10  }
0x38: {  	s10 =	sld [smem:$0x3FBC]  }
0x39: {  	_ = 	snop;
	(pc) =	sbr.ind lr, $3  }
0x3a: {  	_ = 	snop  }
0x3b: {  	_ = 	snop  }
0x3c: {  	p2 =	seq.s32 s10, $0x1;
	s10 =	sld [smem:$0x3FBB]  }
0x3d: {  	_ =	shalt  }
0x3e: {  	_ =	shalt  }
0x3f: {  	_ =	shalt  }
0x40: {  	_ =	shalt  }
0x41: {  	_ =	shalt  }
0x42: {  	_ =	shalt  }
0x43: {  	_ =	shalt  }
0x44: {  	_ =	shalt  }
0x45: {  	_ =	shalt  }
0x46: {  	_ =	shalt  }
0x47: {  	_ =	shalt  }
0x48: {  	_ =	shalt  }
0x49: {  	_ =	shalt  }
0x4a: {  	_ =	shalt  }
0x4b: {  	_ =	shalt  }
0x4c: {  	_ =	shalt  }
0x4d: {  	_ =	shalt  }
0x4e: {  	_ =	shalt  }
0x4f: {  	_ =	shalt  }
0x50: {  	_ =	shalt  }
0x51: {  	_ =	shalt  }
0x52: {  	_ =	shalt  }
0x53: {  	_ =	shalt  }
0x54: {  	_ =	shalt  }
0x55: {  	_ =	shalt  }
0x56: {  	_ =	shalt  }
0x57: {  	_ =	shalt  }
0x58: {  	_ =	shalt  }
0x59: {  	_ =	shalt  }
0x5a: {  	_ =	shalt  }
0x5b: {  	_ =	shalt  }
0x5c: {  	_ =	shalt  }
0x5d: {  	_ =	shalt  }
0x5e: {  	_ =	shalt  }
0x5f: {  	_ =	shalt  }
0x60: {  	_ =	shalt  }
0x61: {  	_ =	shalt  }
0x62: {  	_ =	shalt  }
0x63: {  	_ =	shalt  }
0x64: {  	_ =	shalt  }
0x65: {  	_ =	shalt  }
0x66: {  	_ =	shalt  }
0x67: {  	_ =	shalt  }
0x68: {  	_ =	shalt  }
0x69: {  	_ =	shalt  }
0x6a: {  	_ =	shalt  }
0x6b: {  	_ =	shalt  }
0x6c: {  	_ =	shalt  }
0x6d: {  	_ =	shalt  }
0x6e: {  	_ =	shalt  }
0x6f: {  	_ =	shalt  }
0x70: {  	_ =	shalt  }
0x71: {  	_ =	shalt  }
0x72: {  	_ =	shalt  }
0x73: {  	_ =	shalt  }
0x74: {  	_ =	shalt  }
0x75: {  	_ =	shalt  }
0x76: {  	_ =	shalt  }
0x77: {  	_ =	shalt  }
0x78: {  	_ =	shalt  }
0x79: {  	_ =	shalt  }
0x7a: {  	_ =	shalt  }
0x7b: {  	_ =	shalt  }
0x7c: {  	_ =	shalt  }
0x7d: {  	_ =	shalt  }
0x7e: {  	_ =	shalt  }
0x7f: {  	_ =	shalt  }
0x80: {  	_ =	shalt  }
0x81: {  	_ =	shalt  }
0x82: {  	_ =	shalt  }
0x83: {  	_ =	shalt  }
0x84: {  	_ =	shalt  }
0x85: {  	_ =	shalt  }
0x86: {  	_ =	shalt  }
0x87: {  	_ =	shalt  }
.Lfunc_end0:
.L_simem_size_0:
called_computation.1_lowered:
.L_overlay_start_0:
0x88: {  	s2 =	sld [smem:$0x3FD9]  }
0x89: {  	s3 =	sld [smem:$0x3FFE];
	_ =	sdelay $0x1  }
0x8a: {  	s1 =	srdreg.scid  }
0x8b: {  	s0 =	sand.u32 $0x1, s1  }
0x8c: {  	s17 =	sshll.u32 s0, $0xA;
	s2 =	sadd.s32 s3, s2  }
0x8d: {  	s2 =	sadd.s32 s2, s17  }
0x8e: {  	[smem:$0x3FC7] =	sst s2  }
0x8f: {  	_ = 	snop  }
0x90: {  	s2 =	sld [smem:$0x3FD0];
	(tm) =	ssettm $0x1  }
0x91: {  	s18 =	sld [smem:$0x3FFB];
	_ =	sdelay $0x3  }
0x92: {  	_ =	strace s18  }
0x93: {  	s3 =	sld [smem:$0x3FFC];
	_ =	sdelay $0x3  }
0x94: {  	_ =	strace s3  }
0x95: {  	s3 =	sld [smem:$0x3FFD];
	_ =	sdelay $0x3  }
0x96: {  	_ =	strace s3  }
0x97: {  	_ =	strace $0x8FFFFFFF  }
0x98: {  	s19 =	sld [smem:$0x3FDB];
	_ =	sdelay $0x1  }
0x99: {  	s4 =	simm.s32 $_scs_section_size  }
0x9a: {  	s5 =	simm.s32 $_size__tile_overlayer_lowered;
	s6 =	simm.s32 $_tile_overlayer_lowered  }
0x9b: {  	s22 =	simm.s32 $0x1BFF;
	s21 =	sshll.u32 s6, $0x1;
	s3 =	sadd.s32 s4, s19  }
0x9c: {  	s7 =	simm.s32 $0x0;
	s20 =	sshll.u32 s5, $0x1;
	s5 =	sadd.s32 s21, s3  }
0x9d: {  	[timem:s7], [sflag:s22] =	dma.local [hbm:s5], s20  }
0x9e: {  	_ =	swait.ge [sflag:s22], s20  }
0x9f: {  	s4 =	ssub.s32 $0x0, s20;
	[sflag:s22] =	ssyncset.done $0x0  }
0xa0: {  	[sflag:s22] =	ssyncadd.s32 s4;
	_ =	sdelay $0x1  }
0xa1: {  	s23 =	simm.s32 $0x1B8B  }
0xa2: {  	_ =	swait.ge [sflag:s23], $0x1  }
0xa3: {  	[sflag:s23] =	ssyncset.done $0x0  }
0xa4: {  	s25 =	simm.s32 $0x1B8E;
	s24 =	sld [smem:$0x3FFE];
	[sflag:s23] =	ssyncadd.s32 $0xFFFFFFFF  }
0xa5: {  	s26 =	simm.s32 $execute0_lowered;
	[smem:$0x3FD2] =	sst s25  }
0xa6: {  	s5 =	sshll.u32 s26, $0x1;
	_ =	strace $0x80000046;
	[dreg:$0x1] =	wrdreg $0xFFFFFFFF  }
0xa7: {  	s28 =	simm.s32 $_size_execute0_lowered;
	s3 =	sadd.s32 s3, s5;
	[dreg:$0x0] =	wrdreg $0x0  }
0xa8: {  	s5 =	sshll.u32 s28, $0x1;
	[dreg:$0x2] =	wrdreg s3  }
0xa9: {  	[dreg:$0x3] =	wrdreg s5  }
0xaa: {  	[dreg:$0x4] =	wrdreg $0xC0  }
0xab: {  	_ =	task [dreg:s7], $0x5FFFF  }
0xac: {  	[dreg:$0x1] =	wrdreg $0xFFFFFFFF  }
0xad: {  	[dreg:$0x0] =	wrdreg $0x60  }
0xae: {  	[dreg:$0x2] =	wrdreg s24  }
0xaf: {  	[dreg:$0x3] =	wrdreg s2  }
0xb0: {  	[dreg:$0x4] =	wrdreg $0x9  }
0xb1: {  	_ =	task.clear_ibuf [dreg:s7], $0x5FFFF;
	_ =	strace $0x90000046  }
0xb2: {  	s29 =	simm.s32 $0x9;
	_ =	strace $0x80000048  }
0xb3: {  	_ =	swait.ge [sflag:s29], $0x1  }
0xb4: {  	[sflag:s29] =	ssyncadd.s32 $0xFFFFFFFF  }
0xb5: {  	_ =	strace $0x90000048  }
0xb6: {  	_ =	sfence  }
0xb7: {  	s30 =	sld [smem:$0x0];
	_ =	sdelay $0x2  }
0xb8: {  	s31 =	sshll.u32 s1, $0xD;
	s1 =	sshrl.u32 s1, $0x2  }
0xb9: {  	s3 =	sand.u32 $0x4000, s31;
	s1 =	sadd.s32 s1, s30  }
0xba: {  	s0 =	sor.u32 s3, s0;
	s1 =	sshll.u32 s1, $0x11  }
0xbb: {  	s0 =	sor.u32 s1, s0  }
0xbc: {  	s0 =	sadd.s32 $0x8F2B, s0  }
0xbd: {  	[sflag:s0] =	ssyncadd.remote.s32 $0x1  }
0xbe: {  	_ =	sfence.sel $0xFFFF  }
0xbf: {  	[dreg:$0x0] =	wrdreg $0xFFFFFFFF;
	(pc) =	sbr.abs _section_cstart, $3  }
0xc0: {  	[dreg:$0x1] =	wrdreg $0xFFFFFFFF  }
0xc1: {  	_ =	task.clear_ibuf [dreg:s7], $0x2FFFF;
	_ =	strace $0x9FFFFFFF  }
0xc2: {  	(tm) =	ssettm $0x7FFFFFFF  }
0xc3: {  	_ =	shalt  }
tec
execute0_lowered:
.L_overlay_start_1:
0x0: {  	(tag) =	ssettag $0x1  }
0x1: {  	s2 =	rddreg [dreg:$0x0]  }
0x2: {  	s3 =	srdreg.scid;
	s1 =	stileid.u32  }
0x3: {  	s8 =	rddreg [dreg:$0x1];
	s11 =	sand.u32 $0x1, s3;
	s23 =	sshll.u32 s1, $0x1  }
0x4: {  	s0 =	rddreg [dreg:$0x2];
	s4 =	simm.s32 $0x0;
	s24 =	sor.u32 s11, s23  }
0x5: {  	[smem:$0x7FF] =	sst s4;
	s9 =	sadd.s32 $0x800, s2;
	s3 =	smul.u32 $0x12600, s24  }
0x6: {  	s26 =	sshll.u32 s1, $0x6;
	_ =	strace $0x80000047;
	s6 =	smul.u32 $0x9300, s24  }
0x7: {  	s5 =	sshll.u32 s24, $0x2;
	s7 =	smul.u32 $0x93000, s24;
	s4 =	sshllo.u32 s24, $0x2  }
0x8: {  	s5 =	sor.u32 $0x2, s5;
	s29 =	sshrl.u32 s4, $0x1;
	s13 =	smul.u32 $0x4980, s4  }
0x9: {  	s4 =	sor.u32 $0x1C01, s26;
	s2 =	sadd.s32 s8, s3;
	s10 =	smul.u32 $0x4980, s5  }
0xa: {  	s25 =	sshrl.u32 s5, $0x1;
	s28 =	sshrl.u32 s7, $0x3;
	s14 =	smul.u32 $0x4980, s29  }
0xb: {  	s3 =	sadd.s32 s9, s6;
	s12 =	smul.u32 $0x4980, s25;
	s30 =	sadd.s32 s8, s28  }
0xc: {  	[hbm:s2], [sflag:s4] =	dma.local [hbm:s3], $0x4980  }
0xd: {  	s5 =	sadd.s32 $0x4980, s30;
	s6 =	sadd.s32 s8, s10;
	s8 =	sadd.s32 s8, s13  }
0xe: {  	s10 =	sadd.s32 s9, s14;
	s7 =	sadd.s32 s9, s12;
	s9 =	simm.s32 $0x1  }
0xf: {  	[hbm:s5], [sflag:s4] =	dma.local [hbm:s3], $0x4980  }
0x10: {  	[hbm:s6], [sflag:s4] =	dma.local [hbm:s7], $0x4980  }
0x11: {  	[hbm:s8], [sflag:s4] =	dma.local [hbm:s10], $0x4980  }
0x12: {  	_ =	swait.ge [sflag:s9], $0x4980  }
0x13: {  	s11 =	ssub.s32 $0x2, s11;
	[sflag:s9] =	ssyncset.done $0x0  }
0x14: {  	s31 =	sshrl.u32 s11, $0x1;
	[sflag:s9] =	ssyncadd.s32 $0xFFFFB680  }
0x15: {  	s11 =	ssub.s32 s11, s31;
	_ =	swait.ge [sflag:s9], $0x4980  }
0x16: {  	s11 =	smax.u32 s11, $0x1;
	[sflag:s9] =	ssyncset.done $0x0  }
0x17: {  	p0 =	sne.s32 s11, $0x1;
	[sflag:s9] =	ssyncadd.s32 $0xFFFFB680  }
.Ltmp0:
0x18: {  	_ =	swait.ge [sflag:s9], $0x4980;
	(pc) =	sbr.rel @!p0 .LBB2_2-.Ltmp0, $4  }
0x19: {  	[sflag:s9] =	ssyncset.done $0x0  }
0x1a: {  	[sflag:s9] =	ssyncadd.s32 $0xFFFFB680  }
0x1b: {  	_ =	swait.ge [sflag:s9], $0x4980  }
0x1c: {  	s11 =	sadd.s32 $0xFFFFFFFF, s11;
	[sflag:s9] =	ssyncset.done $0x0  }
.LBB2_1:
0x1d: {  	p0 =	sne.s32 s11, $0x1;
	s11 =	sadd.s32 $0xFFFFFFFF, s11;
	[sflag:s9] =	ssyncadd.s32 $0xFFFFB680  }
0x1e: {  	[hbm:s2], [sflag:s4] =	dma.local [hbm:s3], $0x4980  }
0x1f: {  	[hbm:s5], [sflag:s4] =	dma.local [hbm:s3], $0x4980  }
0x20: {  	[hbm:s6], [sflag:s4] =	dma.local [hbm:s7], $0x4980  }
0x21: {  	[hbm:s8], [sflag:s4] =	dma.local [hbm:s10], $0x4980  }
0x22: {  	_ =	swait.ge [sflag:s9], $0x4980  }
0x23: {  	[sflag:s9] =	ssyncset.done $0x0  }
0x24: {  	[sflag:s9] =	ssyncadd.s32 $0xFFFFB680  }
0x25: {  	_ =	swait.ge [sflag:s9], $0x4980  }
0x26: {  	[sflag:s9] =	ssyncset.done $0x0  }
0x27: {  	[sflag:s9] =	ssyncadd.s32 $0xFFFFB680  }
.Ltmp1:
0x28: {  	_ =	swait.ge [sflag:s9], $0x4980;
	(pc) =	sbr.rel @p0 .LBB2_1-.Ltmp1, $4  }
0x29: {  	[sflag:s9] =	ssyncset.done $0x0  }
0x2a: {  	[sflag:s9] =	ssyncadd.s32 $0xFFFFB680  }
0x2b: {  	_ =	swait.ge [sflag:s9], $0x4980  }
0x2c: {  	[sflag:s9] =	ssyncset.done $0x0  }
.LBB2_2:
0x2d: {  	[sflag:s9] =	ssyncadd.s32 $0xFFFFB680  }
0x2e: {  	_ =	sfence.sel $0x180000  }
0x2f: {  	[bflag:$0x0] =	sbarrier.arrive $0xFFFF  }
0x30: {  	p0 =	sne.s32 s1, $0x0;
	_ =	strace $0x90000047  }
0x31: {  	s0 =	sadd.s32 @!p0 $0x100000, s0;
	[bflag:$0x2] =	sbarrier.arrive $0xFFFF  }
0x32: {  	[sflag:s0] =	ssyncadd.tile.s32 @!p0 $0x1;
	_ =	shalt  }
.Lfunc_end2:
_tile_overlayer_lowered:
.L_overlay_start_2:
0x33: {  	(tag) =	ssettag $0x2  }
0x34: {  	s0 =	rddreg [dreg:$0x0];
	s2 =	stileid.u32  }
0x35: {  	s1 =	rddreg [dreg:$0x1];
	p0 =	sne.s32 s2, $0x0  }
0x36: {  	s3 =	rddreg [dreg:$0x2];
	[bflag:$0x3] =	sbarrier.arrive $0xFFFF;
	s2 =	simm.s32 @!p0 $0x1C02  }
0x37: {  	[timem:s3], [sflag:s2] =	dma.local @!p0 [hbm:s0], s1  }
0x38: {  	s0 =	simm.s32 @!p0 $0x2  }
0x39: {  	_ =	swait.ge @!p0 [sflag:s0], s1  }
0x3a: {  	s1 =	ssub.s32 @!p0 $0x0, s1;
	[sflag:s0] =	ssyncset.done @!p0 $0x0  }
0x3b: {  	[sflag:s0] =	ssyncadd.s32 @!p0 s1  }
0x3c: {  	[bflag:$0x3] =	sbarrier.arrive $0xFFFF  }
0x3d: {  	_ =	shalt  }

// kernel: sparse-core-data-format-call.cloned.1.call-start
scs
called_computation_lowered:
.L_overlay_start_0:
0x0: {  	s2 =	sld [smem:$0x3FD9]  }
0x1: {  	s3 =	sld [smem:$0x3FFE];
	_ =	sdelay $0x1  }
0x2: {  	s1 =	srdreg.scid  }
0x3: {  	s0 =	sand.u32 $0x1, s1  }
0x4: {  	s18 =	sshll.u32 s0, $0xA;
	s2 =	sadd.s32 s3, s2  }
0x5: {  	s2 =	sadd.s32 s2, s18  }
0x6: {  	[smem:$0x3FC7] =	sst s2  }
0x7: {  	_ = 	snop  }
0x8: {  	s2 =	sld [smem:$0x3FD0];
	(tm) =	ssettm $0x1  }
0x9: {  	s19 =	sld [smem:$0x3FFB];
	_ =	sdelay $0x3  }
0xa: {  	_ =	strace s19  }
0xb: {  	s3 =	sld [smem:$0x3FFC];
	_ =	sdelay $0x3  }
0xc: {  	_ =	strace s3  }
0xd: {  	s3 =	sld [smem:$0x3FFD];
	_ =	sdelay $0x3  }
0xe: {  	_ =	strace s3  }
0xf: {  	_ =	strace $0x8FFFFFFF  }
0x10: {  	s20 =	sld [smem:$0x3FDB];
	_ =	sdelay $0x1  }
0x11: {  	s4 =	simm.s32 $_scs_section_size  }
0x12: {  	s5 =	simm.s32 $_size__tile_overlayer_lowered;
	s6 =	simm.s32 $_tile_overlayer_lowered  }
0x13: {  	s23 =	simm.s32 $0x1BFF;
	s22 =	sshll.u32 s6, $0x1;
	s3 =	sadd.s32 s4, s20  }
0x14: {  	s7 =	simm.s32 $0x0;
	s21 =	sshll.u32 s5, $0x1;
	s5 =	sadd.s32 s22, s3  }
0x15: {  	[timem:s7], [sflag:s23] =	dma.local [hbm:s5], s21  }
0x16: {  	_ =	swait.ge [sflag:s23], s21  }
0x17: {  	s4 =	ssub.s32 $0x0, s21;
	[sflag:s23] =	ssyncset.done $0x0  }
0x18: {  	[sflag:s23] =	ssyncadd.s32 s4;
	_ =	sdelay $0x1  }
0x19: {  	s24 =	simm.s32 $0x1B8B  }
0x1a: {  	_ =	swait.ge [sflag:s24], $0x1  }
0x1b: {  	[sflag:s24] =	ssyncset.done $0x0  }
0x1c: {  	s26 =	simm.s32 $0x1B8E;
	s25 =	sld [smem:$0x3FFE];
	[sflag:s24] =	ssyncadd.s32 $0xFFFFFFFF  }
0x1d: {  	s27 =	simm.s32 $execute0_lowered;
	[smem:$0x3FD2] =	sst s26  }
0x1e: {  	s5 =	sshll.u32 s27, $0x1;
	_ =	strace $0x80000049;
	[dreg:$0x1] =	wrdreg $0xFFFFFFFF  }
0x1f: {  	s28 =	simm.s32 $_size_execute0_lowered;
	s3 =	sadd.s32 s3, s5;
	[dreg:$0x0] =	wrdreg $0x0  }
0x20: {  	s5 =	sshll.u32 s28, $0x1;
	[dreg:$0x2] =	wrdreg s3  }
0x21: {  	[dreg:$0x3] =	wrdreg s5  }
0x22: {  	[dreg:$0x4] =	wrdreg $0xC0  }
0x23: {  	_ =	task [dreg:s7], $0x5FFFF  }
0x24: {  	[dreg:$0x1] =	wrdreg $0xFFFFFFFF  }
0x25: {  	[dreg:$0x0] =	wrdreg $0x60  }
0x26: {  	[dreg:$0x2] =	wrdreg s25  }
0x27: {  	[dreg:$0x3] =	wrdreg s2  }
0x28: {  	[dreg:$0x4] =	wrdreg $0x9  }
0x29: {  	_ =	task.clear_ibuf [dreg:s7], $0x5FFFF;
	_ =	strace $0x90000049  }
0x2a: {  	s29 =	simm.s32 $0x9;
	_ =	strace $0x8000004B  }
0x2b: {  	_ =	swait.ge [sflag:s29], $0x1  }
0x2c: {  	[sflag:s29] =	ssyncadd.s32 $0xFFFFFFFF  }
0x2d: {  	_ =	strace $0x9000004B  }
0x2e: {  	_ =	sfence  }
0x2f: {  	s30 =	sld [smem:$0x0];
	_ =	sdelay $0x2  }
0x30: {  	s31 =	sshll.u32 s1, $0xD;
	s1 =	sshrl.u32 s1, $0x2  }
0x31: {  	s3 =	sand.u32 $0x4000, s31;
	s1 =	sadd.s32 s1, s30  }
0x32: {  	s0 =	sor.u32 s3, s0;
	s1 =	sshll.u32 s1, $0x11  }
0x33: {  	s0 =	sor.u32 s1, s0  }
0x34: {  	s0 =	sadd.s32 $0x8F2B, s0  }
0x35: {  	[sflag:s0] =	ssyncadd.remote.s32 $0x1  }
0x36: {  	_ =	sfence.sel $0xFFFF  }
0x37: {  	[dreg:$0x0] =	wrdreg $0xFFFFFFFF;
	(pc) =	sbr.abs _section_cstart, $3  }
0x38: {  	[dreg:$0x1] =	wrdreg $0xFFFFFFFF  }
0x39: {  	_ =	task.clear_ibuf [dreg:s7], $0x2FFFF;
	_ =	strace $0x9FFFFFFF  }
0x3a: {  	(tm) =	ssettm $0x7FFFFFFF  }
0x3b: {  	_ =	shalt  }
tec
execute0_lowered:
.L_overlay_start_1:
0x0: {  	(tag) =	ssettag $0x1  }
0x1: {  	s1 =	rddreg [dreg:$0x0]  }
0x2: {  	s2 =	rddreg [dreg:$0x1]  }
0x3: {  	s0 =	rddreg [dreg:$0x2];
	_ =	strace $0x8000004A;
	s4 =	srdreg.scid  }
0x4: {  	s6 =	simm.s32 $0x2;
	s15 =	simm.s32 $0x0;
	p0 =	por $0x0, $0x0  }
0x5: {  	s17 =	simm.s32 $0x0;
	s18 =	simm.s32 $0x0;
	s16 =	simm.s32 $0x0  }
0x6: {  	s7 =	simm.s32 $0x0;
	s9 =	simm.s32 $0x0;
	s10 =	simm.s32 $0x0  }
.Ltmp0:
0x7: {  	s11 =	simm.s32 $0x0;
	s13 =	simm.s32 $0x0;
	(pc) =	sbr.rel .LBB1_1-.Ltmp0, $4  }
0x8: {  	s14 =	simm.s32 $0x0;
	s3 =	sadd.s32 $0x800, s1;
	s5 =	sshll.u32 s4, $0x4  }
0x9: {  	s1 =	stileid.u32;
	s4 =	simm.s32 $0x1;
	s5 =	sand.u32 $0x10, s5  }
0xa: {  	s8 =	simm.s32 $0x0;
	[sflag:s4] =	ssyncpa.u1 $0x0;
	s5 =	sor.u32 s1, s5  }
0xb: {  	[sflag:s6] =	ssyncpa.u1 $0x0;
	s6 =	simm.s32 $0x0;
	s12 =	smov.u32 s5  }
.LBB1_5:
0xc: {  	p1 =	slt.u32 s8, $0x2;
	s19 =	smov.u32 s18  }
0xd: {  	s22 =	smov.u32 s14;
	s8 =	sadd.s32 $0x1, s8;
	p2 =	sgt.s32 @!p1 s18, $0x2  }
0xe: {  	s20 =	sshra.s32 @!p1 s18, $0x1F;
	p3 =	sgt.s32 @!p1 s15, $0x60;
	p2 =	por !p2, p1  }
0xf: {  	s18 =	sand.u32 @!p1 s20, s18;
	s20 =	sshra.s32 @!p1 s17, $0x1F;
	s19 =	simm.s32 @p2 $0x2  }
0x10: {  	p3 =	por !p3, p1;
	p2 =	sgt.s32 @!p1 s17, $0xDF;
	s18 =	ssub.s32 @!p1 s19, s18  }
0x11: {  	p2 =	por !p2, p1;
	s19 =	smov.u32 s17;
	s17 =	sand.u32 @!p1 s20, s17  }
0x12: {  	s20 =	sadd.s32 @!p1 $0xFFFFFFFE, s18;
	s19 =	simm.s32 @p2 $0xDF;
	s18 =	ssub.s32 @!p1 $0x3, s18  }
0x13: {  	p2 =	sgt.s32 @!p1 s20, $0x0;
	s17 =	ssub.s32 @!p1 s19, s17;
	s20 =	smov.u32 s15  }
0x14: {  	p2 =	por !p2, p1;
	s19 =	sadd.s32 @!p1 $0xFFFFFF21, s17;
	s17 =	ssub.s32 @!p1 $0xE0, s17  }
0x15: {  	s18 =	simm.s32 @!p2 $0x0;
	p2 =	sgt.s32 @!p1 s19, $0x0;
	s19 =	sshra.s32 @!p1 s15, $0x1F  }
0x16: {  	s15 =	sand.u32 @!p1 s19, s15;
	s19 =	ssub.s32 @!p1 $0x0, s16;
	p2 =	por !p2, p1  }
0x17: {  	s20 =	simm.s32 @p3 $0x60;
	s16 =	smin.u32 @!p1 s16, s19;
	s17 =	simm.s32 @!p2 $0x0  }
0x18: {  	s15 =	ssub.s32 @!p1 s20, s15;
	s20 =	smov.u32 s12;
	p2 =	sgt.s32 @!p1 s16, $0x7F  }
0x19: {  	s19 =	sadd.s32 @!p1 $0xFFFFFFA0, s15;
	s16 =	ssub.s32 @!p1 $0x80, s16;
	p2 =	por !p2, p1  }
0x1a: {  	p3 =	sgt.s32 @!p1 s19, $0x7F;
	s19 =	sadd.s32 $0x80, s11;
	s16 =	simm.s32 @!p2 $0x0  }
0x1b: {  	p2 =	sgt.s32 s19, $0xDF;
	s16 =	smul.u32 @!p1 s16, s18;
	s18 =	sadd.s32 $0x20, s12  }
0x1c: {  	p0 =	por !p0, !p0;
	s23 =	simm.s32 @!p1 $0x2;
	s20 =	smov.u32 @p2 s18  }
0x1d: {  	s16 =	smul.u32 @!p1 s17, s16;
	p4 =	sgt.s32 s20, $0xDF;
	s17 =	simm.s32 $0x1  }
0x1e: {  	s15 =	ssub.s32 @!p1 $0xE0, s15;
	p3 =	por !p3, p1;
	s17 =	simm.s32 @!p4 $0x0  }
0x1f: {  	s15 =	simm.s32 @!p3 $0x0;
	s19 =	simm.s32 @p2 $0x0;
	s21 =	sadd.s32 s17, s13  }
0x20: {  	s15 =	smul.u32 @!p1 s15, s16;
	s16 =	sadd.s32 $0x80, s14;
	p2 =	sgt.s32 s21, $0x2  }
0x21: {  	s18 =	smov.u32 s9;
	s9 =	smov.u32 s13;
	s22 =	smov.u32 @p2 s16  }
0x22: {  	s20 =	smov.u32 @p4 s5;
	s21 =	simm.s32 @p2 $0x0;
	p2 =	sgt.s32 s22, $0x7F  }
0x23: {  	s17 =	smov.u32 s7;
	s22 =	simm.s32 @p2 $0x0;
	p2 =	sne.s32 s8, $0x2C  }
.Ltmp1:
0x24: {  	s7 =	smov.u32 s12;
	s12 =	smov.u32 s20;
	(pc) =	sbr.rel @!p2 .LBB1_6-.Ltmp1, $4  }
0x25: {  	s15 =	sand.u32 @!p1 $0x3FFFFFFF, s15;
	s16 =	smov.u32 s10;
	s10 =	smov.u32 s14  }
0x26: {  	_ =	swait.ge @!p1 [sflag:s23], s15;
	s24 =	ssub.s32 @!p1 $0x0, s15;
	s15 =	smov.u32 s6  }
0x27: {  	s6 =	smov.u32 s11;
	s11 =	smov.u32 s19;
	[sflag:s23] =	ssyncset.done @!p1 $0x0  }
0x28: {  	s13 =	smov.u32 s21;
	[sflag:s23] =	ssyncadd.s32 @!p1 s24;
	s14 =	smov.u32 s22  }
.LBB1_1:
0x29: {  	p1 =	sgt.u32 s8, $0x29  }
0x2a: {  	s19 =	sshll.u32 @!p1 s12, $0x8;
	s20 =	sshll.u32 @!p1 s11, $0x3  }
0x2b: {  	s21 =	sshll.u32 @!p1 s12, $0x7;
	s19 =	sand.u32 @!p1 $0xFFFFF800, s19;
	s20 =	sand.u32 @!p1 $0xFFFFFC00, s20  }
0x2c: {  	s19 =	sadd.s32 @!p1 s19, s20;
	s20 =	sand.u32 @!p1 $0x300, s21  }
0x2d: {  	s19 =	sor.u32 @!p1 s20, s19  }
0x2e: {  	s19 =	sshrl.u32 @!p1 s19, $0x8  }
0x2f: {  	s20 =	smulhi.u32 @!p1 $0x124924A, s19  }
0x30: {  	s22 =	sxor.u32 @!p1 $0xFFFFFFFF, s8;
	s24 =	smul.u32 @!p1 $0x5400, s14  }
0x31: {  	s23 =	sand.u32 @!p1 $0x78, s11;
	s21 =	sand.u32 @!p1 $0x80, s21;
	s20 =	smul.u32 @!p1 $0xE0, s20  }
0x32: {  	s22 =	sshll.u32 @!p1 s22, $0xE;
	s21 =	sor.u32 @!p1 s23, s21;
	s23 =	smul.u32 @!p1 $0x1C00, s13  }
0x33: {  	s19 =	ssub.s32 @!p1 s19, s20;
	s20 =	sand.u32 @!p1 $0x4000, s22;
	s22 =	sadd.s32 @!p1 s3, s24  }
0x34: {  	s21 =	sshrl.u32 @!p1 s21, $0x3;
	s22 =	sadd.s32 @!p1 s23, s22;
	s23 =	sand.u32 @!p1 $0x7, s11  }
0x35: {  	s19 =	sshll.u32 @!p1 s19, $0x5;
	s21 =	sadd.s32 @!p1 s21, s22;
	s22 =	sshll.u32 @!p1 s23, $0x12  }
0x36: {  	s19 =	sadd.s32 @!p1 s19, s21;
	s21 =	sor.u32 @!p1 $0x80, s22;
	s22 =	simm.s32 @!p1 $0x2A000  }
0x37: {  	[tilespmem:s20], [sflag:$0x1] =	stream.strided.gather @!p1 [hbm4b:s19+s21], $0x4000, s22, s21, $0x38;
	[tilespmem:$0x10100] =	vst v63  }
0x38: {  	p1 =	seq.s32 s8, $0x0  }
0x39: {  	p2 =	seq.s32 @!p1 s8, $0x2B  }
0x3a: {  	p1 =	por p1, p2  }
.Ltmp2:
0x3b: {  	_ = 	snop;
	(pc) =	sbr.rel @p1 .LBB1_5-.Ltmp2, $1  }
0x3c: {  	_ =	sdelay $0x3  }
0x3d: {  	s19 =	simm.s32 $0x1  }
0x3e: {  	_ =	swait.ge [sflag:s4], $0x4000;
	s19 =	simm.s32 @!p0 $0x0  }
0x3f: {  	[sflag:s4] =	ssyncset.done $0x0;
	s20 =	sshll.u32 s19, $0xE  }
0x40: {  	[sflag:s4] =	ssyncadd.s32 $0xFFFFC000;
	s20 =	sor.u32 $0x40, s20  }
0x41: {  	s19 =	smul.u32 $0x10200, s19;
	v0 =	vld [tilespmem:s20+$0x30]  }
0x42: {  	v1 =	vld [tilespmem:s20+$0xFFFFFFD0]  }
0x43: {  	s19 =	sshrl.u32 s19, $0x2;
	v5 =	vld [tilespmem:s20+$0xFFFFFFE0]  }
0x44: {  	v6 =	vld [tilespmem:s20+$0xFFFFFFF0];
	s22 =	sor.u32 $0x8000, s19  }
0x45: {  	s31 =	sand.u32 $0x1, s8;
	v4 =	vld [tilespmem:s20+$0x0];
	s21 =	sadd.s32 $0x0, s22  }
0x46: {  	v3 =	vld [tilespmem:s20+$0x10];
	s19 =	smul.u32 $0x10200, s31;
	[tilespmem:s21+$0x3870 ss:$0x81] =	vst.msk $0xffff, v0  }
0x47: {  	v2 =	vld [tilespmem:s20+$0x20];
	[tilespmem:s21+$0x810 ss:$0x81] =	vst.msk $0xffff, v1  }
0x48: {  	s19 =	sshrl.u32 s19, $0x2;
	v1 =	vld [tilespmem:s20+$0xFFFFFFC0];
	[tilespmem:s21+$0x1020 ss:$0x81] =	vst.msk $0xffff, v5;
	s20 =	sadd.s32 $0x80, s20  }
0x49: {  	s23 =	simm.s32 $0x4;
	s24 =	simm.s32 $0x8;
	s19 =	sor.u32 $0x8000, s19;
	[tilespmem:s21+$0x1830 ss:$0x81] =	vst.msk $0xffff, v6;
	v0 =	vld [tilespmem:s20+$0x30]  }
.LBB1_3:
0x4a: {  	p1 =	sne.s32 s24, $0x1FC;
	v5 =	vld [tilespmem:s20+$0xFFFFFFD0];
	[tilespmem:s21+$0x2040 ss:$0x81] =	vst.msk $0xffff, v4  }
0x4b: {  	v6 =	vld [tilespmem:s20+$0xFFFFFFE0];
	[tilespmem:s21+$0x2850 ss:$0x81] =	vst.msk $0xffff, v3  }
0x4c: {  	s25 =	sshra.s32 s23, $0x2;
	s23 =	smov.u32 s24;
	v7 =	vld [tilespmem:s20+$0xFFFFFFF0];
	[tilespmem:s21+$0x3060 ss:$0x81] =	vst.msk $0xffff, v2  }
.Ltmp3:
0x4d: {  	v4 =	vld [tilespmem:s20+$0x0];
	[tilespmem:s21+$0x0 ss:$0x81] =	vst.msk $0xffff, v1;
	s21 =	sadd.s32 s25, s22;
	(pc) =	sbr.rel @p1 .LBB1_3-.Ltmp3, $4  }
0x4e: {  	v3 =	vld [tilespmem:s20+$0x10];
	[tilespmem:s21+$0x3870 ss:$0x81] =	vst.msk $0xffff, v0  }
0x4f: {  	[tilespmem:s21+$0x810 ss:$0x81] =	vst.msk $0xffff, v5;
	v2 =	vld [tilespmem:s20+$0x20]  }
0x50: {  	v1 =	vld [tilespmem:s20+$0xFFFFFFC0];
	[tilespmem:s21+$0x1020 ss:$0x81] =	vst.msk $0xffff, v6;
	s20 =	sadd.s32 $0x80, s20  }
0x51: {  	s24 =	sadd.s32 $0x4, s24;
	v0 =	vld [tilespmem:s20+$0x30];
	[tilespmem:s21+$0x1830 ss:$0x81] =	vst.msk $0xffff, v7  }
0x52: {  	s24 =	sshll.u32 s6, $0x7;
	s25 =	sshll.u32 s10, $0x3  }
0x53: {  	s23 =	sshra.s32 s23, $0x2;
	p1 =	sgt.s32 s9, $0x2;
	s29 =	sshra.s32 s9, $0x1F  }
0x54: {  	p2 =	sgt.s32 s7, $0xDF;
	s27 =	smov.u32 s7;
	s28 =	sshra.s32 s7, $0x1F  }
0x55: {  	s31 =	sshra.s32 s6, $0x1F;
	s26 =	sand.u32 $0xFFFFFC00, s24;
	s25 =	sand.u32 $0xFFFFFC00, s25  }
0x56: {  	s24 =	sand.u32 $0x380, s24;
	s22 =	sadd.s32 s23, s22;
	s25 =	sadd.s32 s25, s26  }
0x57: {  	s27 =	simm.s32 @!p2 $0xDF;
	s24 =	sor.u32 s24, s25;
	s25 =	smov.u32 s9  }
0x58: {  	s30 =	sand.u32 s28, s7;
	s26 =	sand.u32 s29, s9;
	s25 =	simm.s32 @!p1 $0x2  }
0x59: {  	p2 =	sgt.s32 s6, $0x60;
	s28 =	sand.u32 s31, s6;
	s25 =	ssub.s32 s25, s26  }
0x5a: {  	s31 =	smul.u32 $0xC4000, s9;
	s24 =	sshrl.u32 s24, $0x7;
	s26 =	sadd.s32 $0xFFFFFFFE, s25  }
0x5b: {  	s23 =	smulhi.u32 $0x2492493, s24;
	p1 =	sgt.s32 s26, $0x0;
	s26 =	ssub.s32 s27, s30  }
0x5c: {  	v5 =	vld [tilespmem:s20+$0xFFFFFFD0];
	[tilespmem:s21+$0x2040 ss:$0x81] =	vst.msk $0xffff, v4;
	s25 =	ssub.s32 $0x3, s25;
	s27 =	smov.u32 s6;
	s29 =	sadd.s32 $0xFFFFFF21, s26  }
0x5d: {  	v58 =	vld [tilespmem:s20+$0xFFFFFFE0];
	[tilespmem:s21+$0x2850 ss:$0x81] =	vst.msk $0xffff, v3;
	s27 =	simm.s32 @!p2 $0x60;
	p2 =	sgt.s32 s29, $0x0;
	s29 =	ssub.s32 $0x0, s10  }
0x5e: {  	v59 =	vld [tilespmem:s20+$0xFFFFFFF0];
	[tilespmem:s21+$0x3060 ss:$0x81] =	vst.msk $0xffff, v2;
	s23 =	sshrl.u32 s23, $0x1;
	s27 =	ssub.s32 s27, s28;
	s28 =	smin.u32 s10, s29  }
0x5f: {  	v60 =	vld [tilespmem:s20+$0x0];
	[tilespmem:s21+$0x0 ss:$0x81] =	vst.msk $0xffff, v1;
	s25 =	simm.s32 @p1 $0x0;
	p1 =	sgt.s32 s28, $0x7F;
	s21 =	ssub.s32 $0x80, s28  }
0x60: {  	v61 =	vld [tilespmem:s20+$0x10];
	[tilespmem:s22+$0x3870 ss:$0x81] =	vst.msk $0xffff, v0;
	s23 =	smul.u32 $0xE0, s23;
	s26 =	ssub.s32 $0xE0, s26;
	s21 =	simm.s32 @p1 $0x0  }
0x61: {  	v62 =	vld [tilespmem:s20+$0x20];
	[tilespmem:s22+$0x810 ss:$0x81] =	vst.msk $0xffff, v5;
	s26 =	simm.s32 @p2 $0x0;
	s30 =	sadd.s32 $0xFFFFFFA0, s27;
	s21 =	smul.u32 s21, s25  }
0x62: {  	v63 =	vld [tilespmem:s20+$0xFFFFFFC0];
	[tilespmem:s22+$0x1020 ss:$0x81] =	vst.msk $0xffff, v58;
	s20 =	ssub.s32 $0xE0, s27;
	s29 =	smul.u32 $0xE00, s7;
	p1 =	sgt.s32 s30, $0x7F  }
0x63: {  	[tilespmem:s22+$0x1830 ss:$0x81] =	vst.msk $0xffff, v59;
	s28 =	sshrl.u32 s10, $0x3;
	s20 =	simm.s32 @p1 $0x0;
	s21 =	smul.u32 s26, s21  }
.Ltmp4:
0x64: {  	[tilespmem:s22+$0x2040 ss:$0x81] =	vst.msk $0xffff, v60;
	s25 =	sadd.s32 s2, s31;
	s26 =	sand.u32 $0xF, s28;
	(pc) =	sbr.rel .LBB1_5-.Ltmp4, $4  }
0x65: {  	[tilespmem:s22+$0x2850 ss:$0x81] =	vst.msk $0xffff, v61;
	s23 =	ssub.s32 s24, s23;
	s30 =	sadd.s32 s26, s25;
	s20 =	smul.u32 s20, s21  }
0x66: {  	[tilespmem:s22+$0x3060 ss:$0x81] =	vst.msk $0xffff, v62;
	s23 =	sshll.u32 s23, $0x4;
	s21 =	sadd.s32 s29, s30  }
0x67: {  	[tilespmem:s22+$0x0 ss:$0x81] =	vst.msk $0xffff, v63;
	s31 =	sand.u32 $0x7, s10;
	s21 =	sadd.s32 s23, s21;
	s20 =	sand.u32 $0x3FFFFFFF, s20  }
0x68: {  	[hbm4b:s21+s31] =	stream.linear.scatter [tilespmem:s19], [sflag:$0x2], s20, $0x20;
	[tilespmem:$0x10100] =	vst v63  }
.LBB1_6:
0x69: {  	_ =	sfence.sel $0x180000  }
0x6a: {  	s2 =	simm.s32 $0x1;
	[bflag:$0x0] =	sbarrier.arrive $0xFFFF  }
0x6b: {  	s31 =	simm.s32 $0x2;
	[sflag:s2] =	ssyncpa.u1 $0x1  }
0x6c: {  	[sflag:s31] =	ssyncpa.u1 $0x1  }
0x6d: {  	p0 =	sne.s32 s1, $0x0;
	_ =	strace $0x9000004A  }
0x6e: {  	s0 =	sadd.s32 @!p0 $0x100000, s0;
	[bflag:$0x2] =	sbarrier.arrive $0xFFFF  }
0x6f: {  	[sflag:s0] =	ssyncadd.tile.s32 @!p0 $0x1;
	_ =	shalt  }
.Lfunc_end1:
_tile_overlayer_lowered:
.L_overlay_start_2:
0x70: {  	(tag) =	ssettag $0x2  }
0x71: {  	s0 =	rddreg [dreg:$0x0];
	s2 =	stileid.u32  }
0x72: {  	s1 =	rddreg [dreg:$0x1];
	p0 =	sne.s32 s2, $0x0  }
0x73: {  	s3 =	rddreg [dreg:$0x2];
	[bflag:$0x3] =	sbarrier.arrive $0xFFFF;
	s2 =	simm.s32 @!p0 $0x1C01  }
0x74: {  	[timem:s3], [sflag:s2] =	dma.local @!p0 [hbm:s0], s1  }
0x75: {  	s0 =	simm.s32 @!p0 $0x1  }
0x76: {  	_ =	swait.ge @!p0 [sflag:s0], s1  }
0x77: {  	s1 =	ssub.s32 @!p0 $0x0, s1;
	[sflag:s0] =	ssyncset.done @!p0 $0x0  }
0x78: {  	[sflag:s0] =	ssyncadd.s32 @!p0 s1  }
0x79: {  	[bflag:$0x3] =	sbarrier.arrive $0xFFFF  }
0x7a: {  	_ =	shalt  }

</sc_bundles>
